<compile_context>
chip_gen: v7x
topology: tpu7x:2x2x1
jax: 0.10.2.dev20260603
libtpu: 0.0.44.dev20260713+nightly
codegen_flags: <defaults>
</compile_context>

<pallas_src>
import jax
import jax.numpy as jnp
from jax.experimental import pallas as pl


def _outer_sum_kernel(x_ref, yt_ref, o_ref):
    o_ref[...] = x_ref[...][:, :, None] + yt_ref[...][None, :, :]


def kernel(query_size, key_size, x_emb, y_emb):
    q, d = x_emb.shape
    k, _ = y_emb.shape
    x_eff = jnp.take(x_emb, jnp.arange(q) + (query_size - q), axis=0)
    y_eff = jnp.take(y_emb, jnp.arange(k) + (key_size - k), axis=0)

    yt = y_eff.T
    bq = 32
    out3 = pl.pallas_call(
        _outer_sum_kernel,
        grid=(q // bq,),
        in_specs=[
            pl.BlockSpec((bq, d), lambda i: (i, 0)),
            pl.BlockSpec((d, k), lambda i: (0, 0)),
        ],
        out_specs=pl.BlockSpec((bq, d, k), lambda i: (i, 0, 0)),
        out_shape=jax.ShapeDtypeStruct((q, d, k), x_emb.dtype),
    )(x_eff, yt)
    return jnp.transpose(out3, (0, 2, 1))

# --- scband reference (transcript-rebuilt; emitter-appended) ---
"""Pipeline reference for scband-position-encoding1-dex-188978561315 (READ-ONLY COPY).

The authoritative reference and input builder live on the scoring server;
editing this copy changes nothing except your own understanding.
"""

import jax, jax.numpy as jnp
import numpy as np

QUERY_MAX_SIZE = 2048
KEY_MAX_SIZE = 2048
DIM = 16


def setup_inputs(seed: int = 0) -> dict:
    key = jax.random.key(seed)
    k1, k2 = jax.random.split(key)
    x_emb = jax.random.normal(k1, (QUERY_MAX_SIZE, DIM), dtype=jnp.float32)
    y_emb = jax.random.normal(k2, (KEY_MAX_SIZE, DIM), dtype=jnp.float32)
    return {
        "query_size": 2048,
        "key_size": 2048,
        "x_emb": x_emb,
        "y_emb": y_emb,
    }


def reference(query_size, key_size, x_emb, y_emb):
    q = x_emb.shape[0]
    k = y_emb.shape[0]
    # x = arange(Q) unsqueezed to [Q,1], tiled to [Q,K]
    x = (jnp.arange(q) + (query_size - q))[:, None]
    x = jnp.tile(x, (1, k))
    # y = arange(K) unsqueezed to [1,K], tiled to [Q,K]
    y = (jnp.arange(k) + (key_size - k))[None, :]
    y = jnp.tile(y, (q, 1))
    # embedding lookups (gather rows)
    x_encoding = jnp.take(x_emb, x, axis=0)  # [Q, K, dim]
    y_encoding = jnp.take(y_emb, y, axis=0)  # [Q, K, dim]
    return x_encoding + y_encoding

if __name__ == "__main__":
    import jax
    _d = setup_inputs()
    print(jax.jit(kernel)(*tuple(_d.values())))

</pallas_src>

<mosaic_0001>
module attributes {stable_mosaic.version = 14 : i64} {
  func.func @_outer_sum_kernel(%arg0: i32, %arg1: memref<32x16xf32, #tpu.memory_space<vmem>>, %arg2: memref<16x2048xf32, #tpu.memory_space<vmem>>, %arg3: memref<32x16x2048xf32, #tpu.memory_space<vmem>>) attributes {dimension_semantics = [#tpu.dimension_semantics<arbitrary>], iteration_bounds = array<i64: 64>, scalar_prefetch = 0 : i64, scratch_operands = 0 : i64, tpu.core_type = #tpu.core_type<tc>, window_params = [{transform_indices = @transform_0, window_bounds = array<i64: 32, 16>}, {pipeline_mode = #tpu.pipeline_mode<synchronous>, transform_indices = @transform_1, window_bounds = array<i64: 16, 2048>}, {transform_indices = @transform_2, window_bounds = array<i64: 32, 16, 2048>}]} {
    %get3A = arith.constant 0 : index
    %get3A_0 = arith.constant 0 : index
    %get3A_1 = vector.load %arg1[%get3A, %get3A_0] : memref<32x16xf32, #tpu.memory_space<vmem>>, vector<32x16xf32>
    %broadcast_in_dim3A = vector.shape_cast %get3A_1 : vector<32x16xf32> to vector<32x16x1xf32>
    %get3A_2 = arith.constant 0 : index
    %get3A_3 = arith.constant 0 : index
    %get3A_4 = vector.load %arg2[%get3A_2, %get3A_3] : memref<16x2048xf32, #tpu.memory_space<vmem>>, vector<16x2048xf32>
    %broadcast_in_dim3A_5 = vector.shape_cast %get3A_4 : vector<16x2048xf32> to vector<1x16x2048xf32>
    %add3A = vector.broadcast %broadcast_in_dim3A : vector<32x16x1xf32> to vector<32x16x2048xf32>
    %add3A_6 = vector.broadcast %broadcast_in_dim3A_5 : vector<1x16x2048xf32> to vector<32x16x2048xf32>
    %add3A_7 = arith.addf %add3A, %add3A_6 : vector<32x16x2048xf32>
    %swap3A = arith.constant 0 : index
    %swap3A_8 = arith.constant 0 : index
    %swap3A_9 = arith.constant 0 : index
    %swap3A_10 = vector.load %arg3[%swap3A, %swap3A_8, %swap3A_9] : memref<32x16x2048xf32, #tpu.memory_space<vmem>>, vector<32x16x2048xf32>
    tpu.vector_store %arg3[%swap3A, %swap3A_8, %swap3A_9], %add3A_7 {strides = array<i32>} : memref<32x16x2048xf32, #tpu.memory_space<vmem>>, vector<32x16x2048xf32>,
    return
  }
  func.func @transform_0(%arg0: i32) -> (i32, i32) {
    %c0_i32 = arith.constant 0 : i32
    %c0_i32_0 = arith.constant 0 : i32
    return %arg0, %c0_i32 : i32, i32
  }
  func.func @transform_1(%arg0: i32) -> (i32, i32) {
    %c0_i32 = arith.constant 0 : i32
    %c0_i32_0 = arith.constant 0 : i32
    %c0_i32_1 = arith.constant 0 : i32
    return %c0_i32, %c0_i32_0 : i32, i32
  }
  func.func @transform_2(%arg0: i32) -> (i32, i32, i32) {
    %c0_i32 = arith.constant 0 : i32
    %c0_i32_0 = arith.constant 0 : i32
    %c0_i32_1 = arith.constant 0 : i32
    return %arg0, %c0_i32, %c0_i32_0 : i32, i32, i32
  }
}

</mosaic_0001>

<sc_bundles>
// kernel: gather_offload_async_start.1
scs
__scs_entry_jumppad:
0x0: {  	(pc) =	sbr.rel $0x88, $3  }
0x1: {  	(tag) =	ssettag $0x0;
	lr =	simm.s32 $0x1  }
0x2: {  	[smem:$0x3F9D] =	sst lr;
	_ =	strace $0xD0000000  }
0x3: {  	_ = 	snop  }
0x4: {  	_ = 	snop  }
0x5: {  	_ = 	snop  }
0x6: {  	_ = 	snop  }
0x7: {  	_ = 	snop  }
__scs_overlays_trampoline_lowered:
0x8: {  	[smem:$0x3FAC] =	sst s0  }
0x9: {  	[smem:$0x3FAD] =	sst s1  }
0xa: {  	[smem:$0x3FAE] =	sst s2  }
0xb: {  	[smem:$0x3FAF] =	sst s3  }
0xc: {  	[smem:$0x3FB0] =	sst s4  }
0xd: {  	[smem:$0x3FB1] =	sst s5  }
0xe: {  	[smem:$0x3FB2] =	sst s6  }
0xf: {  	[smem:$0x3FB3] =	sst s7  }
0x10: {  	[smem:$0x3FB4] =	sst s8  }
0x11: {  	[smem:$0x3FB5] =	sst s9;
	s0 =	simm.s32 @!p0 $0x0  }
0x12: {  	s1 =	sld [smem:$0x3F9B];
	s0 =	simm.s32 @p0 $0x1  }
0x13: {  	[smem:$0x3FB6] =	sst s0;
	s0 =	simm.s32 @!p1 $0x0  }
0x14: {  	s2 =	sld [smem:$0x3F9A];
	s0 =	simm.s32 @p1 $0x1  }
0x15: {  	[smem:$0x3FB7] =	sst s0;
	s0 =	simm.s32 @!p2 $0x0  }
0x16: {  	s3 =	sld [smem:$0x3FDB];
	s0 =	simm.s32 @p2 $0x1  }
0x17: {  	s4 =	simm.s32 $0x1BF5;
	[smem:$0x3FB9] =	sst s0  }
0x18: {  	s0 =	sld [smem:$0x3F9C];
	_ =	swait.ge [sflag:s4], $0x0  }
0x19: {  	s7 =	sld [smem:$0x3F9D]  }
0x1a: {  	s8 =	sadd.s32 $0xFFFFE003, lr  }
0x1b: {  	s9 =	sadd.s32 $0xFFFFFEF7, lr;
	s5 =	simm.s32 $0xFFFFFFFF;
	p2 =	slt.u32 s8, $0xFFFFF086  }
0x1c: {  	p1 =	slt.u32 s9, $0xF7A;
	s5 =	simm.s32 @!p2 $0x0  }
0x1d: {  	s5 =	simm.s32 @p1 $0x1;
	p0 =	seq.s32 s7, s2  }
0x1e: {  	s7 =	smul.u32 @!p0 $0xF7A, s2;
	p2 =	seq.s32 @!p0 s5, $0x0  }
0x1f: {  	s9 =	smul.u32 $0xF7A, s1;
	s8 =	simm.s32 @!p0 $0x1BF5;
	p2 =	por !p2, p0  }
0x20: {  	[sflag:s8] =	ssyncset.s32 @!p0 $0xFFFFF086;
	s6 =	sadd.s32 @!p0 s3, s7;
	s7 =	simm.s32 @!p0 $0x108  }
0x21: {  	s3 =	sadd.s32 s3, s9;
	s6 =	sadd.s32 @!p0 $0x88, s6;
	s7 =	simm.s32 @p2 $0x1082  }
0x22: {  	[simem:s7], [sflag:s8] =	dma.local @!p0 [hbm:s6], $0xF7A  }
0x23: {  	s9 =	sor.u32 $0xD0000000, s2;
	s6 =	simm.s32 $0x108;
	_ =	swait.ge @!p0 [sflag:s8], $0x0  }
0x24: {  	s3 =	sadd.s32 $0x88, s3;
	s6 =	simm.s32 @!p1 $0x1082;
	[sflag:s4] =	ssyncset.s32 $0xFFFFF086  }
0x25: {  	[simem:s6], [sflag:s4] =	dma.local [hbm:s3], $0xF7A  }
0x26: {  	[smem:$0x3F9D] =	sst s1;
	(tag) =	ssettag s2;
	_ =	strace s9  }
0x27: {  	s1 =	sld [smem:$0x3FAD]  }
0x28: {  	s2 =	sld [smem:$0x3FAE]  }
0x29: {  	s4 =	sld [smem:$0x3FB0]  }
0x2a: {  	p0 =	seq.s32 s5, $0x0;
	s5 =	sld [smem:$0x3FB1]  }
0x2b: {  	s6 =	sld [smem:$0x3FB2]  }
0x2c: {  	s7 =	sld [smem:$0x3FB3]  }
0x2d: {  	s3 =	simm.s32 $0x108;
	s8 =	sld [smem:$0x3FB4]  }
0x2e: {  	s3 =	simm.s32 @!p0 $0x1082;
	s9 =	sld [smem:$0x3FB5]  }
0x2f: {  	lr =	sadd.s32 s0, s3;
	s0 =	sld [smem:$0x3FAC]  }
0x30: {  	s3 =	sld [smem:$0x3FAF]  }
0x31: {  	[smem:$0x3FB8] =	sst s10  }
0x32: {  	s10 =	sld [smem:$0x3FB6];
	_ =	sdelay $0x3  }
0x33: {  	p0 =	seq.s32 s10, $0x1;
	s10 =	sld [smem:$0x3FB8];
	_ =	sdelay $0x3  }
0x34: {  	[smem:$0x3FB8] =	sst s10  }
0x35: {  	s10 =	sld [smem:$0x3FB7];
	_ =	sdelay $0x3  }
0x36: {  	p1 =	seq.s32 s10, $0x1;
	s10 =	sld [smem:$0x3FB8];
	_ =	sdelay $0x3  }
0x37: {  	[smem:$0x3FB8] =	sst s10  }
0x38: {  	s10 =	sld [smem:$0x3FB9]  }
0x39: {  	_ = 	snop;
	(pc) =	sbr.ind lr, $3  }
0x3a: {  	_ = 	snop  }
0x3b: {  	_ = 	snop  }
0x3c: {  	p2 =	seq.s32 s10, $0x1;
	s10 =	sld [smem:$0x3FB8]  }
0x3d: {  	_ =	shalt  }
0x3e: {  	_ =	shalt  }
0x3f: {  	_ =	shalt  }
0x40: {  	_ =	shalt  }
0x41: {  	_ =	shalt  }
0x42: {  	_ =	shalt  }
0x43: {  	_ =	shalt  }
0x44: {  	_ =	shalt  }
0x45: {  	_ =	shalt  }
0x46: {  	_ =	shalt  }
0x47: {  	_ =	shalt  }
0x48: {  	_ =	shalt  }
0x49: {  	_ =	shalt  }
0x4a: {  	_ =	shalt  }
0x4b: {  	_ =	shalt  }
0x4c: {  	_ =	shalt  }
0x4d: {  	_ =	shalt  }
0x4e: {  	_ =	shalt  }
0x4f: {  	_ =	shalt  }
0x50: {  	_ =	shalt  }
0x51: {  	_ =	shalt  }
0x52: {  	_ =	shalt  }
0x53: {  	_ =	shalt  }
0x54: {  	_ =	shalt  }
0x55: {  	_ =	shalt  }
0x56: {  	_ =	shalt  }
0x57: {  	_ =	shalt  }
0x58: {  	_ =	shalt  }
0x59: {  	_ =	shalt  }
0x5a: {  	_ =	shalt  }
0x5b: {  	_ =	shalt  }
0x5c: {  	_ =	shalt  }
0x5d: {  	_ =	shalt  }
0x5e: {  	_ =	shalt  }
0x5f: {  	_ =	shalt  }
0x60: {  	_ =	shalt  }
0x61: {  	_ =	shalt  }
0x62: {  	_ =	shalt  }
0x63: {  	_ =	shalt  }
0x64: {  	_ =	shalt  }
0x65: {  	_ =	shalt  }
0x66: {  	_ =	shalt  }
0x67: {  	_ =	shalt  }
0x68: {  	_ =	shalt  }
0x69: {  	_ =	shalt  }
0x6a: {  	_ =	shalt  }
0x6b: {  	_ =	shalt  }
0x6c: {  	_ =	shalt  }
0x6d: {  	_ =	shalt  }
0x6e: {  	_ =	shalt  }
0x6f: {  	_ =	shalt  }
0x70: {  	_ =	shalt  }
0x71: {  	_ =	shalt  }
0x72: {  	_ =	shalt  }
0x73: {  	_ =	shalt  }
0x74: {  	_ =	shalt  }
0x75: {  	_ =	shalt  }
0x76: {  	_ =	shalt  }
0x77: {  	_ =	shalt  }
0x78: {  	_ =	shalt  }
0x79: {  	_ =	shalt  }
0x7a: {  	_ =	shalt  }
0x7b: {  	_ =	shalt  }
0x7c: {  	_ =	shalt  }
0x7d: {  	_ =	shalt  }
0x7e: {  	_ =	shalt  }
0x7f: {  	_ =	shalt  }
0x80: {  	_ =	shalt  }
0x81: {  	_ =	shalt  }
0x82: {  	_ =	shalt  }
0x83: {  	_ =	shalt  }
0x84: {  	_ =	shalt  }
0x85: {  	_ =	shalt  }
0x86: {  	_ =	shalt  }
0x87: {  	_ =	shalt  }
.Lfunc_end0:
.L_simem_size_0:
called_computation.1_lowered:
.L_overlay_start_0:
0x88: {  	s2 =	sld [smem:$0x3FD9]  }
0x89: {  	s3 =	sld [smem:$0x3FFE];
	_ =	sdelay $0x1  }
0x8a: {  	s1 =	srdreg.scid  }
0x8b: {  	s0 =	sand.u32 $0x1, s1  }
0x8c: {  	s16 =	sshll.u32 s0, $0xA;
	s2 =	sadd.s32 s3, s2  }
0x8d: {  	s2 =	sadd.s32 s2, s16  }
0x8e: {  	[smem:$0x3FC4] =	sst s2  }
0x8f: {  	_ = 	snop  }
0x90: {  	(tm) =	ssettm $0x1  }
0x91: {  	s17 =	sld [smem:$0x3FFB];
	_ =	sdelay $0x3  }
0x92: {  	_ =	strace s17  }
0x93: {  	s2 =	sld [smem:$0x3FFC];
	_ =	sdelay $0x3  }
0x94: {  	_ =	strace s2  }
0x95: {  	s2 =	sld [smem:$0x3FFD];
	_ =	sdelay $0x3  }
0x96: {  	_ =	strace s2  }
0x97: {  	_ =	strace $0x8FFFFFFF  }
0x98: {  	s18 =	sld [smem:$0x3FDB];
	_ =	sdelay $0x1  }
0x99: {  	s19 =	simm.s32 $_scs_section_size  }
0x9a: {  	s4 =	simm.s32 $_size__tile_overlayer_lowered;
	s5 =	simm.s32 $_tile_overlayer_lowered  }
0x9b: {  	s22 =	simm.s32 $0x1BFF;
	s21 =	sshll.u32 s5, $0x1;
	s2 =	sadd.s32 s19, s18  }
0x9c: {  	s6 =	simm.s32 $0x0;
	s20 =	sshll.u32 s4, $0x1;
	s4 =	sadd.s32 s21, s2  }
0x9d: {  	[timem:s6], [sflag:s22] =	dma.local [hbm:s4], s20  }
0x9e: {  	_ =	swait.ge [sflag:s22], s20  }
0x9f: {  	s3 =	ssub.s32 $0x0, s20;
	[sflag:s22] =	ssyncset.done $0x0  }
0xa0: {  	[sflag:s22] =	ssyncadd.s32 s3;
	_ =	sdelay $0x1  }
0xa1: {  	s23 =	simm.s32 $0x1B8B  }
0xa2: {  	_ =	swait.ge [sflag:s23], $0x1  }
0xa3: {  	[sflag:s23] =	ssyncset.done $0x0  }
0xa4: {  	s25 =	simm.s32 $0x1B8E;
	s24 =	sld [smem:$0x3FFE];
	[sflag:s23] =	ssyncadd.s32 $0xFFFFFFFF  }
0xa5: {  	s26 =	simm.s32 $execute0_lowered;
	[smem:$0x3FD2] =	sst s25  }
0xa6: {  	s4 =	sshll.u32 s26, $0x1;
	_ =	strace $0x80000046;
	[dreg:$0x1] =	wrdreg $0xFFFFFFFF  }
0xa7: {  	s28 =	simm.s32 $_size_execute0_lowered;
	s2 =	sadd.s32 s2, s4;
	[dreg:$0x0] =	wrdreg $0x0  }
0xa8: {  	s4 =	sshll.u32 s28, $0x1;
	[dreg:$0x2] =	wrdreg s2  }
0xa9: {  	[dreg:$0x3] =	wrdreg s4  }
0xaa: {  	[dreg:$0x4] =	wrdreg $0xC0  }
0xab: {  	_ =	task [dreg:s6], $0x5FFFF  }
0xac: {  	[dreg:$0x1] =	wrdreg $0xFFFFFFFF  }
0xad: {  	[dreg:$0x0] =	wrdreg $0x60  }
0xae: {  	[dreg:$0x2] =	wrdreg s24  }
0xaf: {  	[dreg:$0x3] =	wrdreg $0x9  }
0xb0: {  	_ =	task.clear_ibuf [dreg:s6], $0x4FFFF;
	_ =	strace $0x90000046  }
0xb1: {  	s29 =	simm.s32 $0x9;
	_ =	strace $0x80000048  }
0xb2: {  	_ =	swait.ge [sflag:s29], $0x1  }
0xb3: {  	[sflag:s29] =	ssyncadd.s32 $0xFFFFFFFF  }
0xb4: {  	_ =	strace $0x90000048  }
0xb5: {  	_ =	sfence  }
0xb6: {  	s30 =	sld [smem:$0x0];
	_ =	sdelay $0x2  }
0xb7: {  	s31 =	sshll.u32 s1, $0xD;
	s1 =	sshrl.u32 s1, $0x2  }
0xb8: {  	s3 =	sand.u32 $0x4000, s31;
	s1 =	sadd.s32 s1, s30  }
0xb9: {  	s0 =	sor.u32 s3, s0;
	s1 =	sshll.u32 s1, $0x11  }
0xba: {  	s0 =	sor.u32 s1, s0  }
0xbb: {  	s0 =	sadd.s32 $0x8F2B, s0  }
0xbc: {  	[sflag:s0] =	ssyncadd.remote.s32 $0x1  }
0xbd: {  	_ =	sfence.sel $0xFFFF  }
0xbe: {  	[dreg:$0x0] =	wrdreg $0xFFFFFFFF;
	(pc) =	sbr.abs _section_cstart, $3  }
0xbf: {  	[dreg:$0x1] =	wrdreg $0xFFFFFFFF  }
0xc0: {  	_ =	task.clear_ibuf [dreg:s6], $0x2FFFF;
	_ =	strace $0x9FFFFFFF  }
0xc1: {  	(tm) =	ssettm $0x7FFFFFFF  }
tec
execute0_lowered:
.L_overlay_start_1:
0x0: {  	(tag) =	ssettag $0x1  }
0x1: {  	s7 =	rddreg [dreg:$0x0]  }
0x2: {  	s0 =	rddreg [dreg:$0x1];
	_ =	strace $0x80000047  }
0x3: {  	s1 =	srdreg.scid;
	s4 =	simm.s32 $0x1;
	s9 =	simm.s32 $0x3  }
0x4: {  	s12 =	simm.s32 $0x0;
	s10 =	simm.s32 $0x0;
	s5 =	sshll.u32 s1, $0x4  }
.Ltmp0:
0x5: {  	s1 =	stileid.u32;
	s5 =	sand.u32 $0x10, s5;
	(pc) =	sbr.rel .LBB2_1-.Ltmp0, $4  }
0x6: {  	s2 =	sadd.s32 $0xC00, s7;
	s3 =	sadd.s32 $0xA00, s7;
	s6 =	sor.u32 s1, s5  }
0x7: {  	[sflag:s4] =	ssyncpa.u1 $0x0;
	s5 =	simm.s32 $0x2;
	s6 =	sshll.u32 s6, $0x6  }
0x8: {  	s7 =	sadd.s32 $0x8C00, s7;
	[sflag:s5] =	ssyncpa.u1 $0x0;
	s8 =	sadd.s32 $0x40, s6  }
0x9: {  	vm0 =	vmmov $0xff;
	vm1 =	vcmask $0x3F20;
	[sflag:s9] =	ssyncpa.u1 $0x0;
	s9 =	simm.s32 $0x40;
	s11 =	smov.u32 s6  }
.LBB2_9:
0xa: {  	p0 =	seq.s32 s10, $0x2  }
.Ltmp1:
0xb: {  	_ = 	snop;
	(pc) =	sbr.rel @p0 .LBB2_11-.Ltmp1, $1  }
0xc: {  	_ =	sdelay $0x3  }
.LBB2_10:
0xd: {  	s12 =	sadd.s32 $0x40, s11  }
0xe: {  	s13 =	smov.u32 s6;
	p0 =	slt.s32 s12, s8  }
0xf: {  	s13 =	smov.u32 @p0 s12  }
0x10: {  	s10 =	sadd.s32 $0x1, s10;
	s12 =	smov.u32 s11;
	s11 =	smov.u32 s13  }
.LBB2_1:
0x11: {  	p0 =	sne.s32 s10, $0x0  }
.Ltmp2:
0x12: {  	_ = 	snop;
	(pc) =	sbr.rel @!p0 .LBB2_2-.Ltmp2, $1  }
0x13: {  	_ =	sdelay $0x3  }
0x14: {  	s13 =	sand.u32 $0x1, s10  }
0x15: {  	p0 =	seq.s32 s13, $0x0  }
.Ltmp3:
0x16: {  	_ = 	snop;
	(pc) =	sbr.rel @p0 .LBB2_9-.Ltmp3, $1  }
0x17: {  	_ =	sdelay $0x3  }
0x18: {  	_ =	swait.ge [sflag:s5], $0x40  }
0x19: {  	[sflag:s5] =	ssyncset.done $0x0  }
0x1a: {  	s13 =	simm.s32 $0x0;
	[sflag:s5] =	ssyncadd.s32 $0xFFFFFFC0  }
0x1b: {  	v0 =	vld.msk [tilespmem:s13+$0x40 ss:$0x1], $0xffff;
	_ =	sdelay $0x4  }
0x1c: {  	vm2 =	vgt.s32 v0, $0x0  }
0x1d: {  	v0 =	vnsel vm2, $0x0, v0  }
0x1e: {  	v0 =	vmin.u32 v0, $0x7FF  }
0x1f: {  	v0 =	vshll.u32 v0, $0x4;
	_ =	sdelay $0x3  }
0x20: {  	s13 =	simm.s32 $0x2080  }
0x21: {  	[tilespmem:s13], [sflag:$0x1] =	stream.indirect_vreg.gather [hbm:s2], $0x80, v0, vm0, $0x38;
	[tilespmem:$0x4080] =	vst v63  }
0x22: {  	s14 =	simm.s32 $0x2480;
	s31 =	simm.s32 $0x10  }
0x23: {  	[tilespmem:s14], [sflag:$0x1] =	stream.indirect_vreg.gather [hbm:s2], $0x80, v0, vm1, $0x38;
	[tilespmem:$0x4080] =	vst v63  }
0x24: {  	s14 =	simm.s32 $0x80;
	v0 =	vld.msk [tilespmem:s31+$0x40 ss:$0x1], $0xffff  }
.LBB2_5:
0x25: {  	p0 =	sne.s32 s14, $0xC0;
	_ =	sdelay $0x4  }
0x26: {  	vm2 =	vgt.s32 v0, $0x0  }
0x27: {  	v0 =	vnsel vm2, $0x0, v0  }
0x28: {  	v0 =	vmin.u32 v0, $0x7FF  }
0x29: {  	v0 =	vshll.u32 v0, $0x4;
	_ =	sdelay $0x3  }
.Ltmp4:
0x2a: {  	s13 =	sadd.s32 $0x800, s13;
	(pc) =	sbr.rel @p0 .LBB2_5-.Ltmp4, $4  }
0x2b: {  	[tilespmem:s13], [sflag:$0x1] =	stream.indirect_vreg.gather [hbm:s2], $0x80, v0, vm0, $0x38;
	[tilespmem:$0x4080] =	vst v63  }
0x2c: {  	s15 =	sshra.s32 s14, $0x2;
	s16 =	sadd.s32 $0x400, s13  }
0x2d: {  	[tilespmem:s16], [sflag:$0x1] =	stream.indirect_vreg.gather [hbm:s2], $0x80, v0, vm1, $0x38;
	[tilespmem:$0x4080] =	vst v63  }
0x2e: {  	s14 =	sadd.s32 $0x40, s14;
	v0 =	vld.msk [tilespmem:s15+$0x40 ss:$0x1], $0xffff  }
0x2f: {  	_ =	sdelay $0x3  }
0x30: {  	vm2 =	vgt.s32 v0, $0x0  }
0x31: {  	v0 =	vnsel vm2, $0x0, v0  }
0x32: {  	v0 =	vmin.u32 v0, $0x7FF  }
0x33: {  	v0 =	vshll.u32 v0, $0x4;
	_ =	sdelay $0x3  }
0x34: {  	s13 =	sadd.s32 $0x800, s13  }
0x35: {  	[tilespmem:s13], [sflag:$0x1] =	stream.indirect_vreg.gather [hbm:s2], $0x80, v0, vm0, $0x38;
	[tilespmem:$0x4080] =	vst v63  }
0x36: {  	s13 =	sadd.s32 $0x400, s13  }
0x37: {  	[tilespmem:s13], [sflag:$0x1] =	stream.indirect_vreg.gather [hbm:s2], $0x80, v0, vm1, $0x38;
	[tilespmem:$0x4080] =	vst v63  }
0x38: {  	s12 =	sshll.u32 s12, $0x4;
	s14 =	simm.s32 $0x80;
	_ =	swait.ge [sflag:s4], $0x2000  }
0x39: {  	s15 =	simm.s32 $0x2480;
	s12 =	sadd.s32 s12, s7;
	[sflag:s4] =	ssyncset.done $0x0  }
0x3a: {  	s16 =	sadd.s32 $0x0, s12;
	s13 =	simm.s32 $0x2080;
	[sflag:s4] =	ssyncadd.s32 $0xFFFFE000  }
.LBB2_7:
0x3b: {  	[hbm:s16] =	stream.linear.scatter [tilespmem:s13], [sflag:$0x3], $0x400, $0x38;
	[tilespmem:$0x4080] =	vst v63  }
0x3c: {  	s16 =	smov.u32 s14;
	s13 =	smov.u32 s15;
	p0 =	sne.s32 s14, $0x380  }
.Ltmp5:
0x3d: {  	s14 =	sadd.s32 $0x80, s14;
	(pc) =	sbr.rel @p0 .LBB2_7-.Ltmp5, $2  }
0x3e: {  	_ =	sdelay $0x2  }
0x3f: {  	s15 =	sadd.s32 $0x400, s15;
	s16 =	sadd.s32 s16, s12  }
.Ltmp6:
0x40: {  	(pc) =	sbr.rel .LBB2_9-.Ltmp6, $2  }
0x41: {  	_ =	sdelay $0x2  }
0x42: {  	[hbm:s16] =	stream.linear.scatter [tilespmem:s13], [sflag:$0x3], $0x400, $0x38;
	[tilespmem:$0x4080] =	vst v63  }
.LBB2_2:
.Ltmp7:
0x43: {  	(pc) =	sbr.rel .LBB2_10-.Ltmp7, $4  }
0x44: {  	_ = 	snop  }
0x45: {  	s12 =	sshrl.u32 s11, $0x3  }
0x46: {  	s13 =	sand.u32 $0x7, s11;
	s12 =	sadd.s32 s3, s12  }
0x47: {  	[tilespmem:s9], [sflag:$0x2] =	stream.linear.gather [hbm4b:s12+s13], $0x40, $0x38;
	[tilespmem:$0x4080] =	vst v63  }
.LBB2_11:
0x48: {  	s2 =	simm.s32 $0x3  }
0x49: {  	_ =	swait.ge [sflag:s2], $0x2000  }
0x4a: {  	[sflag:s2] =	ssyncset.done $0x0  }
0x4b: {  	[sflag:s2] =	ssyncadd.s32 $0xFFFFE000  }
0x4c: {  	_ =	sfence.sel $0x180000  }
0x4d: {  	s3 =	simm.s32 $0x2;
	[bflag:$0x0] =	sbarrier.arrive $0xFFFF  }
0x4e: {  	[sflag:s3] =	ssyncpa.u1 $0x1  }
0x4f: {  	s31 =	simm.s32 $0x1;
	[sflag:s2] =	ssyncpa.u1 $0x1  }
0x50: {  	[sflag:s31] =	ssyncpa.u1 $0x1  }
0x51: {  	p0 =	sne.s32 s1, $0x0;
	_ =	strace $0x90000047  }
0x52: {  	s0 =	sadd.s32 @!p0 $0x100000, s0;
	[bflag:$0x2] =	sbarrier.arrive $0xFFFF  }
0x53: {  	[sflag:s0] =	ssyncadd.tile.s32 @!p0 $0x1;
	_ =	shalt  }
.Lfunc_end2:
_tile_overlayer_lowered:
.L_overlay_start_2:
0x54: {  	(tag) =	ssettag $0x2  }
0x55: {  	s0 =	rddreg [dreg:$0x0];
	s2 =	stileid.u32  }
0x56: {  	s1 =	rddreg [dreg:$0x1];
	p0 =	sne.s32 s2, $0x0  }
0x57: {  	s3 =	rddreg [dreg:$0x2];
	[bflag:$0x3] =	sbarrier.arrive $0xFFFF;
	s2 =	simm.s32 @!p0 $0x1C01  }
0x58: {  	[timem:s3], [sflag:s2] =	dma.local @!p0 [hbm:s0], s1  }
0x59: {  	s0 =	simm.s32 @!p0 $0x1  }
0x5a: {  	_ =	swait.ge @!p0 [sflag:s0], s1  }
0x5b: {  	s1 =	ssub.s32 @!p0 $0x0, s1;
	[sflag:s0] =	ssyncset.done @!p0 $0x0  }
0x5c: {  	[sflag:s0] =	ssyncadd.s32 @!p0 s1  }
0x5d: {  	[bflag:$0x3] =	sbarrier.arrive $0xFFFF  }
0x5e: {  	_ =	shalt  }

// kernel: gather_offload_async_start
scs
__scs_entry_jumppad:
0x0: {  	(pc) =	sbr.rel $0x88, $3  }
0x1: {  	(tag) =	ssettag $0x0;
	lr =	simm.s32 $0x1  }
0x2: {  	[smem:$0x3F9D] =	sst lr;
	_ =	strace $0xD0000000  }
0x3: {  	_ = 	snop  }
0x4: {  	_ = 	snop  }
0x5: {  	_ = 	snop  }
0x6: {  	_ = 	snop  }
0x7: {  	_ = 	snop  }
__scs_overlays_trampoline_lowered:
0x8: {  	[smem:$0x3FAC] =	sst s0  }
0x9: {  	[smem:$0x3FAD] =	sst s1  }
0xa: {  	[smem:$0x3FAE] =	sst s2  }
0xb: {  	[smem:$0x3FAF] =	sst s3  }
0xc: {  	[smem:$0x3FB0] =	sst s4  }
0xd: {  	[smem:$0x3FB1] =	sst s5  }
0xe: {  	[smem:$0x3FB2] =	sst s6  }
0xf: {  	[smem:$0x3FB3] =	sst s7  }
0x10: {  	[smem:$0x3FB4] =	sst s8  }
0x11: {  	[smem:$0x3FB5] =	sst s9;
	s0 =	simm.s32 @!p0 $0x0  }
0x12: {  	s1 =	sld [smem:$0x3F9B];
	s0 =	simm.s32 @p0 $0x1  }
0x13: {  	[smem:$0x3FB6] =	sst s0;
	s0 =	simm.s32 @!p1 $0x0  }
0x14: {  	s2 =	sld [smem:$0x3F9A];
	s0 =	simm.s32 @p1 $0x1  }
0x15: {  	[smem:$0x3FB7] =	sst s0;
	s0 =	simm.s32 @!p2 $0x0  }
0x16: {  	s3 =	sld [smem:$0x3FDB];
	s0 =	simm.s32 @p2 $0x1  }
0x17: {  	s4 =	simm.s32 $0x1BF5;
	[smem:$0x3FB9] =	sst s0  }
0x18: {  	s0 =	sld [smem:$0x3F9C];
	_ =	swait.ge [sflag:s4], $0x0  }
0x19: {  	s7 =	sld [smem:$0x3F9D]  }
0x1a: {  	s8 =	sadd.s32 $0xFFFFE003, lr  }
0x1b: {  	s9 =	sadd.s32 $0xFFFFFEF7, lr;
	s5 =	simm.s32 $0xFFFFFFFF;
	p2 =	slt.u32 s8, $0xFFFFF086  }
0x1c: {  	p1 =	slt.u32 s9, $0xF7A;
	s5 =	simm.s32 @!p2 $0x0  }
0x1d: {  	s5 =	simm.s32 @p1 $0x1;
	p0 =	seq.s32 s7, s2  }
0x1e: {  	s7 =	smul.u32 @!p0 $0xF7A, s2;
	p2 =	seq.s32 @!p0 s5, $0x0  }
0x1f: {  	s9 =	smul.u32 $0xF7A, s1;
	s8 =	simm.s32 @!p0 $0x1BF5;
	p2 =	por !p2, p0  }
0x20: {  	[sflag:s8] =	ssyncset.s32 @!p0 $0xFFFFF086;
	s6 =	sadd.s32 @!p0 s3, s7;
	s7 =	simm.s32 @!p0 $0x108  }
0x21: {  	s3 =	sadd.s32 s3, s9;
	s6 =	sadd.s32 @!p0 $0x88, s6;
	s7 =	simm.s32 @p2 $0x1082  }
0x22: {  	[simem:s7], [sflag:s8] =	dma.local @!p0 [hbm:s6], $0xF7A  }
0x23: {  	s9 =	sor.u32 $0xD0000000, s2;
	s6 =	simm.s32 $0x108;
	_ =	swait.ge @!p0 [sflag:s8], $0x0  }
0x24: {  	s3 =	sadd.s32 $0x88, s3;
	s6 =	simm.s32 @!p1 $0x1082;
	[sflag:s4] =	ssyncset.s32 $0xFFFFF086  }
0x25: {  	[simem:s6], [sflag:s4] =	dma.local [hbm:s3], $0xF7A  }
0x26: {  	[smem:$0x3F9D] =	sst s1;
	(tag) =	ssettag s2;
	_ =	strace s9  }
0x27: {  	s1 =	sld [smem:$0x3FAD]  }
0x28: {  	s2 =	sld [smem:$0x3FAE]  }
0x29: {  	s4 =	sld [smem:$0x3FB0]  }
0x2a: {  	p0 =	seq.s32 s5, $0x0;
	s5 =	sld [smem:$0x3FB1]  }
0x2b: {  	s6 =	sld [smem:$0x3FB2]  }
0x2c: {  	s7 =	sld [smem:$0x3FB3]  }
0x2d: {  	s3 =	simm.s32 $0x108;
	s8 =	sld [smem:$0x3FB4]  }
0x2e: {  	s3 =	simm.s32 @!p0 $0x1082;
	s9 =	sld [smem:$0x3FB5]  }
0x2f: {  	lr =	sadd.s32 s0, s3;
	s0 =	sld [smem:$0x3FAC]  }
0x30: {  	s3 =	sld [smem:$0x3FAF]  }
0x31: {  	[smem:$0x3FB8] =	sst s10  }
0x32: {  	s10 =	sld [smem:$0x3FB6];
	_ =	sdelay $0x3  }
0x33: {  	p0 =	seq.s32 s10, $0x1;
	s10 =	sld [smem:$0x3FB8];
	_ =	sdelay $0x3  }
0x34: {  	[smem:$0x3FB8] =	sst s10  }
0x35: {  	s10 =	sld [smem:$0x3FB7];
	_ =	sdelay $0x3  }
0x36: {  	p1 =	seq.s32 s10, $0x1;
	s10 =	sld [smem:$0x3FB8];
	_ =	sdelay $0x3  }
0x37: {  	[smem:$0x3FB8] =	sst s10  }
0x38: {  	s10 =	sld [smem:$0x3FB9]  }
0x39: {  	_ = 	snop;
	(pc) =	sbr.ind lr, $3  }
0x3a: {  	_ = 	snop  }
0x3b: {  	_ = 	snop  }
0x3c: {  	p2 =	seq.s32 s10, $0x1;
	s10 =	sld [smem:$0x3FB8]  }
0x3d: {  	_ =	shalt  }
0x3e: {  	_ =	shalt  }
0x3f: {  	_ =	shalt  }
0x40: {  	_ =	shalt  }
0x41: {  	_ =	shalt  }
0x42: {  	_ =	shalt  }
0x43: {  	_ =	shalt  }
0x44: {  	_ =	shalt  }
0x45: {  	_ =	shalt  }
0x46: {  	_ =	shalt  }
0x47: {  	_ =	shalt  }
0x48: {  	_ =	shalt  }
0x49: {  	_ =	shalt  }
0x4a: {  	_ =	shalt  }
0x4b: {  	_ =	shalt  }
0x4c: {  	_ =	shalt  }
0x4d: {  	_ =	shalt  }
0x4e: {  	_ =	shalt  }
0x4f: {  	_ =	shalt  }
0x50: {  	_ =	shalt  }
0x51: {  	_ =	shalt  }
0x52: {  	_ =	shalt  }
0x53: {  	_ =	shalt  }
0x54: {  	_ =	shalt  }
0x55: {  	_ =	shalt  }
0x56: {  	_ =	shalt  }
0x57: {  	_ =	shalt  }
0x58: {  	_ =	shalt  }
0x59: {  	_ =	shalt  }
0x5a: {  	_ =	shalt  }
0x5b: {  	_ =	shalt  }
0x5c: {  	_ =	shalt  }
0x5d: {  	_ =	shalt  }
0x5e: {  	_ =	shalt  }
0x5f: {  	_ =	shalt  }
0x60: {  	_ =	shalt  }
0x61: {  	_ =	shalt  }
0x62: {  	_ =	shalt  }
0x63: {  	_ =	shalt  }
0x64: {  	_ =	shalt  }
0x65: {  	_ =	shalt  }
0x66: {  	_ =	shalt  }
0x67: {  	_ =	shalt  }
0x68: {  	_ =	shalt  }
0x69: {  	_ =	shalt  }
0x6a: {  	_ =	shalt  }
0x6b: {  	_ =	shalt  }
0x6c: {  	_ =	shalt  }
0x6d: {  	_ =	shalt  }
0x6e: {  	_ =	shalt  }
0x6f: {  	_ =	shalt  }
0x70: {  	_ =	shalt  }
0x71: {  	_ =	shalt  }
0x72: {  	_ =	shalt  }
0x73: {  	_ =	shalt  }
0x74: {  	_ =	shalt  }
0x75: {  	_ =	shalt  }
0x76: {  	_ =	shalt  }
0x77: {  	_ =	shalt  }
0x78: {  	_ =	shalt  }
0x79: {  	_ =	shalt  }
0x7a: {  	_ =	shalt  }
0x7b: {  	_ =	shalt  }
0x7c: {  	_ =	shalt  }
0x7d: {  	_ =	shalt  }
0x7e: {  	_ =	shalt  }
0x7f: {  	_ =	shalt  }
0x80: {  	_ =	shalt  }
0x81: {  	_ =	shalt  }
0x82: {  	_ =	shalt  }
0x83: {  	_ =	shalt  }
0x84: {  	_ =	shalt  }
0x85: {  	_ =	shalt  }
0x86: {  	_ =	shalt  }
0x87: {  	_ =	shalt  }
.Lfunc_end0:
.L_simem_size_0:
called_computation_lowered:
.L_overlay_start_0:
0x88: {  	s2 =	sld [smem:$0x3FD9]  }
0x89: {  	s3 =	sld [smem:$0x3FFE];
	_ =	sdelay $0x1  }
0x8a: {  	s1 =	srdreg.scid  }
0x8b: {  	s0 =	sand.u32 $0x1, s1  }
0x8c: {  	s17 =	sshll.u32 s0, $0xA;
	s2 =	sadd.s32 s3, s2  }
0x8d: {  	s2 =	sadd.s32 s2, s17  }
0x8e: {  	[smem:$0x3FC4] =	sst s2  }
0x8f: {  	_ = 	snop  }
0x90: {  	s2 =	sld [smem:$0x3FD0];
	(tm) =	ssettm $0x1  }
0x91: {  	s18 =	sld [smem:$0x3FFB];
	_ =	sdelay $0x3  }
0x92: {  	_ =	strace s18  }
0x93: {  	s3 =	sld [smem:$0x3FFC];
	_ =	sdelay $0x3  }
0x94: {  	_ =	strace s3  }
0x95: {  	s3 =	sld [smem:$0x3FFD];
	_ =	sdelay $0x3  }
0x96: {  	_ =	strace s3  }
0x97: {  	_ =	strace $0x8FFFFFFF  }
0x98: {  	s19 =	sld [smem:$0x3FDB];
	_ =	sdelay $0x1  }
0x99: {  	s4 =	simm.s32 $_scs_section_size  }
0x9a: {  	s5 =	simm.s32 $_size__tile_overlayer_lowered;
	s6 =	simm.s32 $_tile_overlayer_lowered  }
0x9b: {  	s22 =	simm.s32 $0x1BFF;
	s21 =	sshll.u32 s6, $0x1;
	s3 =	sadd.s32 s4, s19  }
0x9c: {  	s7 =	simm.s32 $0x0;
	s20 =	sshll.u32 s5, $0x1;
	s5 =	sadd.s32 s21, s3  }
0x9d: {  	[timem:s7], [sflag:s22] =	dma.local [hbm:s5], s20  }
0x9e: {  	_ =	swait.ge [sflag:s22], s20  }
0x9f: {  	s4 =	ssub.s32 $0x0, s20;
	[sflag:s22] =	ssyncset.done $0x0  }
0xa0: {  	[sflag:s22] =	ssyncadd.s32 s4;
	_ =	sdelay $0x1  }
0xa1: {  	s23 =	simm.s32 $0x1B8B  }
0xa2: {  	_ =	swait.ge [sflag:s23], $0x1  }
0xa3: {  	[sflag:s23] =	ssyncset.done $0x0  }
0xa4: {  	s25 =	simm.s32 $0x1B8E;
	s24 =	sld [smem:$0x3FFE];
	[sflag:s23] =	ssyncadd.s32 $0xFFFFFFFF  }
0xa5: {  	s26 =	simm.s32 $execute0_lowered;
	[smem:$0x3FD2] =	sst s25  }
0xa6: {  	s5 =	sshll.u32 s26, $0x1;
	_ =	strace $0x80000049;
	[dreg:$0x1] =	wrdreg $0xFFFFFFFF  }
0xa7: {  	s28 =	simm.s32 $_size_execute0_lowered;
	s3 =	sadd.s32 s3, s5;
	[dreg:$0x0] =	wrdreg $0x0  }
0xa8: {  	s5 =	sshll.u32 s28, $0x1;
	[dreg:$0x2] =	wrdreg s3  }
0xa9: {  	[dreg:$0x3] =	wrdreg s5  }
0xaa: {  	[dreg:$0x4] =	wrdreg $0xC0  }
0xab: {  	_ =	task [dreg:s7], $0x5FFFF  }
0xac: {  	[dreg:$0x1] =	wrdreg $0xFFFFFFFF  }
0xad: {  	[dreg:$0x0] =	wrdreg $0x60  }
0xae: {  	[dreg:$0x2] =	wrdreg s2  }
0xaf: {  	[dreg:$0x3] =	wrdreg s24  }
0xb0: {  	[dreg:$0x4] =	wrdreg $0x9  }
0xb1: {  	_ =	task.clear_ibuf [dreg:s7], $0x5FFFF;
	_ =	strace $0x90000049  }
0xb2: {  	s29 =	simm.s32 $0x9;
	_ =	strace $0x8000004B  }
0xb3: {  	_ =	swait.ge [sflag:s29], $0x1  }
0xb4: {  	[sflag:s29] =	ssyncadd.s32 $0xFFFFFFFF  }
0xb5: {  	_ =	strace $0x9000004B  }
0xb6: {  	_ =	sfence  }
0xb7: {  	s30 =	sld [smem:$0x0];
	_ =	sdelay $0x2  }
0xb8: {  	s31 =	sshll.u32 s1, $0xD;
	s1 =	sshrl.u32 s1, $0x2  }
0xb9: {  	s3 =	sand.u32 $0x4000, s31;
	s1 =	sadd.s32 s1, s30  }
0xba: {  	s0 =	sor.u32 s3, s0;
	s1 =	sshll.u32 s1, $0x11  }
0xbb: {  	s0 =	sor.u32 s1, s0  }
0xbc: {  	s0 =	sadd.s32 $0x8F2B, s0  }
0xbd: {  	[sflag:s0] =	ssyncadd.remote.s32 $0x1  }
0xbe: {  	_ =	sfence.sel $0xFFFF  }
0xbf: {  	[dreg:$0x0] =	wrdreg $0xFFFFFFFF;
	(pc) =	sbr.abs _section_cstart, $3  }
0xc0: {  	[dreg:$0x1] =	wrdreg $0xFFFFFFFF  }
0xc1: {  	_ =	task.clear_ibuf [dreg:s7], $0x2FFFF;
	_ =	strace $0x9FFFFFFF  }
0xc2: {  	(tm) =	ssettm $0x7FFFFFFF  }
0xc3: {  	_ =	shalt  }
tec
execute0_lowered:
.L_overlay_start_1:
0x0: {  	(tag) =	ssettag $0x1  }
0x1: {  	s2 =	rddreg [dreg:$0x0]  }
0x2: {  	s7 =	rddreg [dreg:$0x1]  }
0x3: {  	s0 =	rddreg [dreg:$0x2]  }
0x4: {  	s1 =	srdreg.scid;
	_ =	strace $0x8000004A;
	s4 =	simm.s32 $0x1  }
0x5: {  	s9 =	simm.s32 $0x3;
	s12 =	simm.s32 $0x0;
	s5 =	sshll.u32 s1, $0x4  }
.Ltmp0:
0x6: {  	s1 =	stileid.u32;
	s5 =	sand.u32 $0x10, s5;
	(pc) =	sbr.rel .LBB2_1-.Ltmp0, $4  }
0x7: {  	s10 =	simm.s32 $0x0;
	s3 =	sadd.s32 $0x800, s7;
	s6 =	sor.u32 s1, s5  }
0x8: {  	[sflag:s4] =	ssyncpa.u1 $0x0;
	s5 =	simm.s32 $0x2;
	s6 =	sshll.u32 s6, $0x6  }
0x9: {  	s7 =	sadd.s32 $0xA00, s7;
	[sflag:s5] =	ssyncpa.u1 $0x0;
	s8 =	sadd.s32 $0x40, s6  }
0xa: {  	vm0 =	vmmov $0xff;
	vm1 =	vcmask $0x3F20;
	[sflag:s9] =	ssyncpa.u1 $0x0;
	s9 =	simm.s32 $0x40;
	s11 =	smov.u32 s6  }
.LBB2_9:
0xb: {  	p0 =	seq.s32 s10, $0x2  }
.Ltmp1:
0xc: {  	_ = 	snop;
	(pc) =	sbr.rel @p0 .LBB2_11-.Ltmp1, $1  }
0xd: {  	_ =	sdelay $0x3  }
.LBB2_10:
0xe: {  	s12 =	sadd.s32 $0x40, s11  }
0xf: {  	s13 =	smov.u32 s6;
	p0 =	slt.s32 s12, s8  }
0x10: {  	s13 =	smov.u32 @p0 s12  }
0x11: {  	s10 =	sadd.s32 $0x1, s10;
	s12 =	smov.u32 s11;
	s11 =	smov.u32 s13  }
.LBB2_1:
0x12: {  	p0 =	sne.s32 s10, $0x0  }
.Ltmp2:
0x13: {  	_ = 	snop;
	(pc) =	sbr.rel @!p0 .LBB2_2-.Ltmp2, $1  }
0x14: {  	_ =	sdelay $0x3  }
0x15: {  	s13 =	sand.u32 $0x1, s10  }
0x16: {  	p0 =	seq.s32 s13, $0x0  }
.Ltmp3:
0x17: {  	_ = 	snop;
	(pc) =	sbr.rel @p0 .LBB2_9-.Ltmp3, $1  }
0x18: {  	_ =	sdelay $0x3  }
0x19: {  	_ =	swait.ge [sflag:s5], $0x40  }
0x1a: {  	[sflag:s5] =	ssyncset.done $0x0  }
0x1b: {  	s13 =	simm.s32 $0x0;
	[sflag:s5] =	ssyncadd.s32 $0xFFFFFFC0  }
0x1c: {  	v0 =	vld.msk [tilespmem:s13+$0x40 ss:$0x1], $0xffff;
	_ =	sdelay $0x4  }
0x1d: {  	vm2 =	vgt.s32 v0, $0x0  }
0x1e: {  	v0 =	vnsel vm2, $0x0, v0  }
0x1f: {  	v0 =	vmin.u32 v0, $0x7FF  }
0x20: {  	v0 =	vshll.u32 v0, $0x4;
	_ =	sdelay $0x3  }
0x21: {  	s13 =	simm.s32 $0x2080  }
0x22: {  	[tilespmem:s13], [sflag:$0x1] =	stream.indirect_vreg.gather [hbm:s2], $0x80, v0, vm0, $0x38;
	[tilespmem:$0x4080] =	vst v63  }
0x23: {  	s14 =	simm.s32 $0x2480;
	s31 =	simm.s32 $0x10  }
0x24: {  	[tilespmem:s14], [sflag:$0x1] =	stream.indirect_vreg.gather [hbm:s2], $0x80, v0, vm1, $0x38;
	[tilespmem:$0x4080] =	vst v63  }
0x25: {  	s14 =	simm.s32 $0x80;
	v0 =	vld.msk [tilespmem:s31+$0x40 ss:$0x1], $0xffff  }
.LBB2_5:
0x26: {  	p0 =	sne.s32 s14, $0xC0;
	_ =	sdelay $0x4  }
0x27: {  	vm2 =	vgt.s32 v0, $0x0  }
0x28: {  	v0 =	vnsel vm2, $0x0, v0  }
0x29: {  	v0 =	vmin.u32 v0, $0x7FF  }
0x2a: {  	v0 =	vshll.u32 v0, $0x4;
	_ =	sdelay $0x3  }
.Ltmp4:
0x2b: {  	s13 =	sadd.s32 $0x800, s13;
	(pc) =	sbr.rel @p0 .LBB2_5-.Ltmp4, $4  }
0x2c: {  	[tilespmem:s13], [sflag:$0x1] =	stream.indirect_vreg.gather [hbm:s2], $0x80, v0, vm0, $0x38;
	[tilespmem:$0x4080] =	vst v63  }
0x2d: {  	s15 =	sshra.s32 s14, $0x2;
	s16 =	sadd.s32 $0x400, s13  }
0x2e: {  	[tilespmem:s16], [sflag:$0x1] =	stream.indirect_vreg.gather [hbm:s2], $0x80, v0, vm1, $0x38;
	[tilespmem:$0x4080] =	vst v63  }
0x2f: {  	s14 =	sadd.s32 $0x40, s14;
	v0 =	vld.msk [tilespmem:s15+$0x40 ss:$0x1], $0xffff  }
0x30: {  	_ =	sdelay $0x3  }
0x31: {  	vm2 =	vgt.s32 v0, $0x0  }
0x32: {  	v0 =	vnsel vm2, $0x0, v0  }
0x33: {  	v0 =	vmin.u32 v0, $0x7FF  }
0x34: {  	v0 =	vshll.u32 v0, $0x4;
	_ =	sdelay $0x3  }
0x35: {  	s13 =	sadd.s32 $0x800, s13  }
0x36: {  	[tilespmem:s13], [sflag:$0x1] =	stream.indirect_vreg.gather [hbm:s2], $0x80, v0, vm0, $0x38;
	[tilespmem:$0x4080] =	vst v63  }
0x37: {  	s13 =	sadd.s32 $0x400, s13  }
0x38: {  	[tilespmem:s13], [sflag:$0x1] =	stream.indirect_vreg.gather [hbm:s2], $0x80, v0, vm1, $0x38;
	[tilespmem:$0x4080] =	vst v63  }
0x39: {  	s12 =	sshll.u32 s12, $0x4;
	s14 =	simm.s32 $0x80;
	_ =	swait.ge [sflag:s4], $0x2000  }
0x3a: {  	s15 =	simm.s32 $0x2480;
	s12 =	sadd.s32 s12, s7;
	[sflag:s4] =	ssyncset.done $0x0  }
0x3b: {  	s16 =	sadd.s32 $0x0, s12;
	s13 =	simm.s32 $0x2080;
	[sflag:s4] =	ssyncadd.s32 $0xFFFFE000  }
.LBB2_7:
0x3c: {  	[hbm:s16] =	stream.linear.scatter [tilespmem:s13], [sflag:$0x3], $0x400, $0x38;
	[tilespmem:$0x4080] =	vst v63  }
0x3d: {  	s16 =	smov.u32 s14;
	s13 =	smov.u32 s15;
	p0 =	sne.s32 s14, $0x380  }
.Ltmp5:
0x3e: {  	s14 =	sadd.s32 $0x80, s14;
	(pc) =	sbr.rel @p0 .LBB2_7-.Ltmp5, $2  }
0x3f: {  	_ =	sdelay $0x2  }
0x40: {  	s15 =	sadd.s32 $0x400, s15;
	s16 =	sadd.s32 s16, s12  }
.Ltmp6:
0x41: {  	(pc) =	sbr.rel .LBB2_9-.Ltmp6, $2  }
0x42: {  	_ =	sdelay $0x2  }
0x43: {  	[hbm:s16] =	stream.linear.scatter [tilespmem:s13], [sflag:$0x3], $0x400, $0x38;
	[tilespmem:$0x4080] =	vst v63  }
.LBB2_2:
.Ltmp7:
0x44: {  	(pc) =	sbr.rel .LBB2_10-.Ltmp7, $4  }
0x45: {  	_ = 	snop  }
0x46: {  	s12 =	sshrl.u32 s11, $0x3  }
0x47: {  	s13 =	sand.u32 $0x7, s11;
	s12 =	sadd.s32 s3, s12  }
0x48: {  	[tilespmem:s9], [sflag:$0x2] =	stream.linear.gather [hbm4b:s12+s13], $0x40, $0x38;
	[tilespmem:$0x4080] =	vst v63  }
.LBB2_11:
0x49: {  	s2 =	simm.s32 $0x3  }
0x4a: {  	_ =	swait.ge [sflag:s2], $0x2000  }
0x4b: {  	[sflag:s2] =	ssyncset.done $0x0  }
0x4c: {  	[sflag:s2] =	ssyncadd.s32 $0xFFFFE000  }
0x4d: {  	_ =	sfence.sel $0x180000  }
0x4e: {  	s3 =	simm.s32 $0x2;
	[bflag:$0x0] =	sbarrier.arrive $0xFFFF  }
0x4f: {  	[sflag:s3] =	ssyncpa.u1 $0x1  }
0x50: {  	s31 =	simm.s32 $0x1;
	[sflag:s2] =	ssyncpa.u1 $0x1  }
0x51: {  	[sflag:s31] =	ssyncpa.u1 $0x1  }
0x52: {  	p0 =	sne.s32 s1, $0x0;
	_ =	strace $0x9000004A  }
0x53: {  	s0 =	sadd.s32 @!p0 $0x100000, s0;
	[bflag:$0x2] =	sbarrier.arrive $0xFFFF  }
0x54: {  	[sflag:s0] =	ssyncadd.tile.s32 @!p0 $0x1;
	_ =	shalt  }
.Lfunc_end2:
_tile_overlayer_lowered:
.L_overlay_start_2:
0x55: {  	(tag) =	ssettag $0x2  }
0x56: {  	s0 =	rddreg [dreg:$0x0];
	s2 =	stileid.u32  }
0x57: {  	s1 =	rddreg [dreg:$0x1];
	p0 =	sne.s32 s2, $0x0  }
0x58: {  	s3 =	rddreg [dreg:$0x2];
	[bflag:$0x3] =	sbarrier.arrive $0xFFFF;
	s2 =	simm.s32 @!p0 $0x1C01  }
0x59: {  	[timem:s3], [sflag:s2] =	dma.local @!p0 [hbm:s0], s1  }
0x5a: {  	s0 =	simm.s32 @!p0 $0x1  }
0x5b: {  	_ =	swait.ge @!p0 [sflag:s0], s1  }
0x5c: {  	s1 =	ssub.s32 @!p0 $0x0, s1;
	[sflag:s0] =	ssyncset.done @!p0 $0x0  }
0x5d: {  	[sflag:s0] =	ssyncadd.s32 @!p0 s1  }
0x5e: {  	[bflag:$0x3] =	sbarrier.arrive $0xFFFF  }
0x5f: {  	_ =	shalt  }

</sc_bundles>
